<compile_context>
chip_gen: v7x
topology: tpu7x:2x2x1
jax: 0.10.2.dev20260603
libtpu: 0.0.44.dev20260713+nightly
codegen_flags: <defaults>
</compile_context>

<pallas_src>
import functools

import jax
import jax.numpy as jnp
from jax import lax
from jax.experimental import pallas as pl
from jax.experimental.pallas import tpu as pltpu
from jax.experimental.pallas import tpu_sc as plsc

NC = 2
NS = 16
NW = NC * NS
CHUNK = 128
GM = 2


def _spmm_partials(x, src2d, dst2d, zeros):
    d = x.shape[1]
    npad = zeros.shape[0]
    r = src2d.shape[0]
    rows_per_sub = npad // NS
    iters = (r + NW - 1) // NW
    mesh = plsc.VectorSubcoreMesh(core_axis_name="c", subcore_axis_name="s")

    @functools.partial(
        pl.kernel,
        out_type=jax.ShapeDtypeStruct((NC, npad, d), jnp.float32),
        mesh=mesh,
        scratch_types=[
            pltpu.VMEM((GM * CHUNK,), jnp.int32),
            [pltpu.VMEM((CHUNK,), jnp.int32) for _ in range(GM)],
            pltpu.VMEM((GM * CHUNK, d), jnp.float32),
            pltpu.VMEM_SHARED((npad, d), jnp.float32),
            pltpu.SemaphoreType.DMA,
            pltpu.SemaphoreType.DMA,
        ],
    )
    def spmm(x_hbm, src_hbm, dst_hbm, zero_hbm, out_hbm,
             sidx, didx, rows, yacc, sem, isem):
        c = lax.axis_index("c")
        s = lax.axis_index("s")
        wid = s * NC + c
        pltpu.sync_copy(zero_hbm.at[pl.ds(s * rows_per_sub, rows_per_sub)],
                        yacc.at[pl.ds(s * rows_per_sub, rows_per_sub)])
        plsc.subcore_barrier()

        pltpu.async_copy(src_hbm.at[wid], sidx, isem)

        def body(it, carry):
            row = wid + it * NW

            @pl.when(row < r)
            def _():
                pltpu.make_async_copy(src_hbm.at[row], sidx, isem).wait()
                gat = pltpu.async_copy(x_hbm.at[sidx], rows, sem)
                for k in range(GM):
                    pltpu.sync_copy(dst_hbm.at[GM * row + k], didx[k])
                gat.wait()
                nrow = row + NW

                @pl.when(nrow < r)
                def _p():
                    pltpu.async_copy(src_hbm.at[nrow], sidx, isem)

                for k in range(GM):
                    pltpu.sync_copy(rows.at[pl.ds(k * CHUNK, CHUNK)],
                                    yacc.at[didx[k]], add=True)

            return carry

        lax.fori_loop(0, iters, body, 0)
        plsc.subcore_barrier()
        pltpu.sync_copy(yacc.at[pl.ds(s * rows_per_sub, rows_per_sub)],
                        out_hbm.at[c, pl.ds(s * rows_per_sub, rows_per_sub)])

    return spmm(x, src2d, dst2d, zeros)


def _mlp_body(y_ref, x_ref, w1_ref, b1_ref, w2_ref, b2_ref, scale_ref,
              g_ref, bt_ref, o_ref):
    n = x_ref.shape[0]
    h = y_ref[0, :n] + y_ref[1, :n] + scale_ref[...] * x_ref[...]
    h = jnp.dot(h, w1_ref[...], preferred_element_type=jnp.float32)
    h = jnp.maximum(h + b1_ref[...], 0.0)
    h = jnp.dot(h, w2_ref[...], preferred_element_type=jnp.float32)
    h = h + b2_ref[...]
    mean = jnp.mean(h, axis=0, keepdims=True)
    var = jnp.mean(jnp.square(h - mean), axis=0, keepdims=True)
    h = (h - mean) * lax.rsqrt(var + 1e-5) * g_ref[...] + bt_ref[...]
    o_ref[...] = jnp.maximum(h, 0.0)


def kernel(x, edge_index, W1, b1, W2, b2, eps, gamma, beta):
    n, d = x.shape
    e = edge_index.shape[1]
    assert e % CHUNK == 0
    npad = ((n + 8 * NS - 1) // (8 * NS)) * (8 * NS)
    gtile = GM * CHUNK
    epad = ((e + gtile - 1) // gtile) * gtile
    dst1 = edge_index[0]
    src1 = edge_index[1]
    if epad != e:
        dst1 = jnp.concatenate(
            [dst1, jnp.full((epad - e,), npad - 1, jnp.int32)])
        src1 = jnp.concatenate([src1, jnp.zeros((epad - e,), jnp.int32)])
    dst2d = dst1.reshape(epad // CHUNK, CHUNK)
    src2d = src1.reshape(epad // gtile, gtile)
    zeros = jnp.zeros((npad, d), jnp.float32)

    partials = _spmm_partials(x, src2d, dst2d, zeros)

    scale = (1.0 + eps).reshape(1, 1)
    out = pl.pallas_call(
        _mlp_body,
        out_shape=jax.ShapeDtypeStruct((n, d), jnp.float32),
    )(partials, x, W1.T, b1.reshape(1, d), W2.T, b2.reshape(1, d),
      scale, gamma.reshape(1, d), beta.reshape(1, d))
    return out

# --- scband reference (transcript-rebuilt; emitter-appended) ---
"""Pipeline reference for scband-ginconv-49795850829912 (READ-ONLY COPY).

The authoritative reference and input builder live on the scoring server;
editing this copy changes nothing except your own understanding.
"""

import jax, jax.numpy as jnp
import numpy as np

N = 10000
E = 320000
D_IN = 128
D_OUT = 128


def setup_inputs(seed: int = 0) -> dict:
    key = jax.random.key(seed)
    ks = jax.random.split(key, 8)
    x = jax.random.normal(ks[0], (N, D_IN), dtype=jnp.float32)
    edge_index = jax.random.randint(ks[1], (2, E), 0, N, dtype=jnp.int32)
    # Linear layers (torch nn.Linear stores weight as [out, in])
    W1 = jax.random.normal(ks[2], (D_OUT, D_IN), dtype=jnp.float32) * (1.0 / np.sqrt(D_IN))
    b1 = jnp.zeros((D_OUT,), dtype=jnp.float32)
    W2 = jax.random.normal(ks[3], (D_OUT, D_OUT), dtype=jnp.float32) * (1.0 / np.sqrt(D_OUT))
    b2 = jnp.zeros((D_OUT,), dtype=jnp.float32)
    eps = jnp.zeros((1,), dtype=jnp.float32)
    gamma = jnp.ones((D_OUT,), dtype=jnp.float32)
    beta = jnp.zeros((D_OUT,), dtype=jnp.float32)
    return {"x": x, "edge_index": edge_index, "W1": W1, "b1": b1, "W2": W2, "b2": b2, "eps": eps, "gamma": gamma, "beta": beta}


def reference(x, edge_index, W1, b1, W2, b2, eps, gamma, beta):
    # spmm(adj, x): out[dst] = sum over edges (dst, src) of x[src]
    dst = edge_index[0]
    src = edge_index[1]
    y = jax.ops.segment_sum(jnp.take(x, src, axis=0), dst, num_segments=x.shape[0])
    h = y + (1.0 + eps) * x
    h = h @ W1.T + b1
    h = jax.nn.relu(h)
    h = h @ W2.T + b2
    # BatchNorm1d in training mode (batch statistics)
    mean = jnp.mean(h, axis=0)
    var = jnp.var(h, axis=0)
    h = (h - mean) / jnp.sqrt(var + 1e-5) * gamma + beta
    h = jax.nn.relu(h)
    return h

if __name__ == "__main__":
    import jax
    _d = setup_inputs()
    print(jax.jit(kernel)(*tuple(_d.values())))

</pallas_src>

<mosaic_0001>
#map = affine_map<(d0, d1) -> (0, 0)>
#map1 = affine_map<(d0, d1) -> (0, 0, 0)>
module attributes {stable_mosaic.version = 14 : i64} {
  func.func @spmm(%arg0: i32, %arg1: i32, %arg2: memref<10000x128xf32, #tpu.memory_space<hbm>>, %arg3: memref<1250x256xi32, #tpu.memory_space<hbm>>, %arg4: memref<2500x128xi32, #tpu.memory_space<hbm>>, %arg5: memref<10112x128xf32, #tpu.memory_space<hbm>>, %arg6: memref<2x10112x128xf32, #tpu.memory_space<hbm>>, %arg7: memref<256xi32, #tpu.memory_space<vmem>>, %arg8: memref<128xi32, #tpu.memory_space<vmem>>, %arg9: memref<128xi32, #tpu.memory_space<vmem>>, %arg10: memref<256x128xf32, #tpu.memory_space<vmem>>, %arg11: memref<10112x128xf32, #tpu.memory_space<vmem_shared>>, %arg12: memref<!tpu.dma_semaphore, #tpu.memory_space<semaphore_mem>>, %arg13: memref<!tpu.dma_semaphore, #tpu.memory_space<semaphore_mem>>) attributes {dimension_semantics = [#tpu.dimension_semantics<core_parallel>, #tpu.dimension_semantics<subcore_parallel>], iteration_bounds = array<i64: 2, 16>, scalar_prefetch = 0 : i64, scratch_operands = 7 : i64, tpu.core_type = #tpu.core_type<sc_vector_subcore>, window_params = [{transform_indices = #map}, {transform_indices = #map}, {transform_indices = #map}, {transform_indices = #map}, {transform_indices = #map1}]} {
    %mul3A = arith.constant 2 : i32
    %mul3A_0 = arith.muli %arg1, %mul3A : i32
    %add3A = arith.addi %mul3A_0, %arg0 : i32
    %mul3A_1 = arith.constant 632 : i32
    %mul3A_2 = arith.muli %arg1, %mul3A_1 : i32
    %mul3A_3 = arith.constant 632 : i32
    %mul3A_4 = arith.muli %arg1, %mul3A_3 : i32
    "tpu.region"() ({
      %run_scoped3A = tpu.sem_alloc : memref<!tpu.dma_semaphore, #tpu.memory_space<semaphore_mem>>
      %dma_start3A_20 = arith.constant 0 : i32
      %dma_start3A_21 = tpu.memref_slice %arg11[%mul3A_4, %dma_start3A_20] : memref<10112x128xf32, #tpu.memory_space<vmem_shared>> -> memref<632x128xf32, #tpu.memory_space<vmem_shared>>
      %dma_start3A_22 = arith.constant 0 : i32
      %dma_start3A_23 = tpu.memref_slice %arg5[%mul3A_2, %dma_start3A_22] : memref<10112x128xf32, #tpu.memory_space<hbm>> -> memref<632x128xf32, #tpu.memory_space<hbm>>
      tpu.enqueue_dma source(%dma_start3A_23 : memref<632x128xf32, #tpu.memory_space<hbm>>) target(%dma_start3A_21 : memref<632x128xf32, #tpu.memory_space<vmem_shared>>) target_semaphore(%run_scoped3A : memref<!tpu.dma_semaphore, #tpu.memory_space<semaphore_mem>>)
      %dma_wait3A = arith.constant 0 : i32
      %dma_wait3A_24 = tpu.memref_slice %arg11[%mul3A_4, %dma_wait3A] : memref<10112x128xf32, #tpu.memory_space<vmem_shared>> -> memref<632x128xf32, #tpu.memory_space<vmem_shared>>
      %dma_wait3A_25 = arith.constant 0 : i32
      %dma_wait3A_26 = tpu.memref_slice %arg5[%mul3A_2, %dma_wait3A_25] : memref<10112x128xf32, #tpu.memory_space<hbm>> -> memref<632x128xf32, #tpu.memory_space<hbm>>
      tpu.wait_dma2 semaphore(%run_scoped3A : memref<!tpu.dma_semaphore, #tpu.memory_space<semaphore_mem>>) src(%dma_wait3A_26 : memref<632x128xf32, #tpu.memory_space<hbm>>) dst(%dma_wait3A_24 : memref<632x128xf32, #tpu.memory_space<vmem_shared>>)
      tpu.yield
    }) : () -> ()
    %barrier3A = arith.constant 0 : index
    tpu.barrier barrier_id(%barrier3A)
    %dma_start3A = arith.constant 0 : i32
    %dma_start3A_5 = tpu.memref_slice %arg3[%add3A, %dma_start3A] : memref<1250x256xi32, #tpu.memory_space<hbm>> -> memref<1x256xi32, #tpu.memory_space<hbm>>
    %dma_start3A_6 = tpu.memref_squeeze %dma_start3A_5 : memref<1x256xi32, #tpu.memory_space<hbm>> -> memref<256xi32, #tpu.memory_space<hbm>>
    %dma_start3A_7 = arith.constant 0 : i32
    %dma_start3A_8 = tpu.memref_slice %arg3[%add3A, %dma_start3A_7] : memref<1250x256xi32, #tpu.memory_space<hbm>> -> memref<1x256xi32, #tpu.memory_space<hbm>>
    %dma_start3A_9 = tpu.memref_squeeze %dma_start3A_8 : memref<1x256xi32, #tpu.memory_space<hbm>> -> memref<256xi32, #tpu.memory_space<hbm>>
    tpu.enqueue_dma source(%dma_start3A_9 : memref<256xi32, #tpu.memory_space<hbm>>) target(%arg7 : memref<256xi32, #tpu.memory_space<vmem>>) target_semaphore(%arg13 : memref<!tpu.dma_semaphore, #tpu.memory_space<semaphore_mem>>)
    %scan3A = arith.constant 0 : i32
    %scan3A_10 = arith.constant 0 : i32
    %scan3A_11 = arith.constant 40 : i32
    %scan3A_12 = arith.addi %scan3A_10, %scan3A_11 : i32
    %scan3A_13 = arith.constant 1 : i32
    scf.for %scan3A_20 = %scan3A_10 to %scan3A_12 step %scan3A_13  : i32 {
      %mul3A_21 = arith.constant 32 : i32
      %mul3A_22 = arith.muli %scan3A_20, %mul3A_21 : i32
      %add3A_23 = arith.addi %add3A, %mul3A_22 : i32
      %lt3A = arith.constant 1250 : i32
      %lt3A_24 = arith.cmpi slt, %add3A_23, %lt3A : i32
      %convert_element_type3A = arith.extui %lt3A_24 : i1 to i32
      %cond3A = arith.constant 0 : i32
      %cond3A_25 = arith.cmpi ne, %convert_element_type3A, %cond3A : i32
      scf.if %cond3A_25 {
        %dma_wait3A = arith.constant 0 : i32
        %dma_wait3A_26 = tpu.memref_slice %arg3[%add3A_23, %dma_wait3A] : memref<1250x256xi32, #tpu.memory_space<hbm>> -> memref<1x256xi32, #tpu.memory_space<hbm>>
        %dma_wait3A_27 = tpu.memref_squeeze %dma_wait3A_26 : memref<1x256xi32, #tpu.memory_space<hbm>> -> memref<256xi32, #tpu.memory_space<hbm>>
        %dma_wait3A_28 = arith.constant 0 : i32
        %dma_wait3A_29 = tpu.memref_slice %arg3[%add3A_23, %dma_wait3A_28] : memref<1250x256xi32, #tpu.memory_space<hbm>> -> memref<1x256xi32, #tpu.memory_space<hbm>>
        %dma_wait3A_30 = tpu.memref_squeeze %dma_wait3A_29 : memref<1x256xi32, #tpu.memory_space<hbm>> -> memref<256xi32, #tpu.memory_space<hbm>>
        tpu.wait_dma2 semaphore(%arg13 : memref<!tpu.dma_semaphore, #tpu.memory_space<semaphore_mem>>) src(%dma_wait3A_30 : memref<256xi32, #tpu.memory_space<hbm>>) dst(%arg7 : memref<256xi32, #tpu.memory_space<vmem>>)
        %dma_start3A_31 = arith.constant 0 : i32
        %dma_start3A_32 = arith.constant 0 : i32
        %dma_start3A_33 = tpu.memref_slice %arg2[%dma_start3A_31, %dma_start3A_32] : memref<10000x128xf32, #tpu.memory_space<hbm>> -> memref<10000x128xf32, #tpu.memory_space<hbm>>
        tpu.enqueue_indirect_dma source(%dma_start3A_33 : memref<10000x128xf32, #tpu.memory_space<hbm>>) target(%arg10 : memref<256x128xf32, #tpu.memory_space<vmem>>) offsets(%arg7 : memref<256xi32, #tpu.memory_space<vmem>>) semaphore(%arg12 : memref<!tpu.dma_semaphore, #tpu.memory_space<semaphore_mem>>)
        %mul3A_34 = arith.constant 2 : i32
        %mul3A_35 = arith.muli %mul3A_34, %add3A_23 : i32
        %add3A_36 = arith.constant 0 : i32
        %add3A_37 = arith.addi %mul3A_35, %add3A_36 : i32
        "tpu.region"() ({
          %run_scoped3A = tpu.sem_alloc : memref<!tpu.dma_semaphore, #tpu.memory_space<semaphore_mem>>
          %dma_start3A_52 = arith.constant 0 : i32
          %dma_start3A_53 = tpu.memref_slice %arg4[%add3A_37, %dma_start3A_52] : memref<2500x128xi32, #tpu.memory_space<hbm>> -> memref<1x128xi32, #tpu.memory_space<hbm>>
          %dma_start3A_54 = tpu.memref_squeeze %dma_start3A_53 : memref<1x128xi32, #tpu.memory_space<hbm>> -> memref<128xi32, #tpu.memory_space<hbm>>
          %dma_start3A_55 = arith.constant 0 : i32
          %dma_start3A_56 = tpu.memref_slice %arg4[%add3A_37, %dma_start3A_55] : memref<2500x128xi32, #tpu.memory_space<hbm>> -> memref<1x128xi32, #tpu.memory_space<hbm>>
          %dma_start3A_57 = tpu.memref_squeeze %dma_start3A_56 : memref<1x128xi32, #tpu.memory_space<hbm>> -> memref<128xi32, #tpu.memory_space<hbm>>
          tpu.enqueue_dma source(%dma_start3A_57 : memref<128xi32, #tpu.memory_space<hbm>>) target(%arg8 : memref<128xi32, #tpu.memory_space<vmem>>) target_semaphore(%run_scoped3A : memref<!tpu.dma_semaphore, #tpu.memory_space<semaphore_mem>>)
          %dma_wait3A_58 = arith.constant 0 : i32
          %dma_wait3A_59 = tpu.memref_slice %arg4[%add3A_37, %dma_wait3A_58] : memref<2500x128xi32, #tpu.memory_space<hbm>> -> memref<1x128xi32, #tpu.memory_space<hbm>>
          %dma_wait3A_60 = tpu.memref_squeeze %dma_wait3A_59 : memref<1x128xi32, #tpu.memory_space<hbm>> -> memref<128xi32, #tpu.memory_space<hbm>>
          %dma_wait3A_61 = arith.constant 0 : i32
          %dma_wait3A_62 = tpu.memref_slice %arg4[%add3A_37, %dma_wait3A_61] : memref<2500x128xi32, #tpu.memory_space<hbm>> -> memref<1x128xi32, #tpu.memory_space<hbm>>
          %dma_wait3A_63 = tpu.memref_squeeze %dma_wait3A_62 : memref<1x128xi32, #tpu.memory_space<hbm>> -> memref<128xi32, #tpu.memory_space<hbm>>
          tpu.wait_dma2 semaphore(%run_scoped3A : memref<!tpu.dma_semaphore, #tpu.memory_space<semaphore_mem>>) src(%dma_wait3A_63 : memref<128xi32, #tpu.memory_space<hbm>>) dst(%arg8 : memref<128xi32, #tpu.memory_space<vmem>>)
          tpu.yield
        }) : () -> ()
        %mul3A_38 = arith.constant 2 : i32
        %mul3A_39 = arith.muli %mul3A_38, %add3A_23 : i32
        %add3A_40 = arith.constant 1 : i32
        %add3A_41 = arith.addi %mul3A_39, %add3A_40 : i32
        "tpu.region"() ({
          %run_scoped3A = tpu.sem_alloc : memref<!tpu.dma_semaphore, #tpu.memory_space<semaphore_mem>>
          %dma_start3A_52 = arith.constant 0 : i32
          %dma_start3A_53 = tpu.memref_slice %arg4[%add3A_41, %dma_start3A_52] : memref<2500x128xi32, #tpu.memory_space<hbm>> -> memref<1x128xi32, #tpu.memory_space<hbm>>
          %dma_start3A_54 = tpu.memref_squeeze %dma_start3A_53 : memref<1x128xi32, #tpu.memory_space<hbm>> -> memref<128xi32, #tpu.memory_space<hbm>>
          %dma_start3A_55 = arith.constant 0 : i32
          %dma_start3A_56 = tpu.memref_slice %arg4[%add3A_41, %dma_start3A_55] : memref<2500x128xi32, #tpu.memory_space<hbm>> -> memref<1x128xi32, #tpu.memory_space<hbm>>
          %dma_start3A_57 = tpu.memref_squeeze %dma_start3A_56 : memref<1x128xi32, #tpu.memory_space<hbm>> -> memref<128xi32, #tpu.memory_space<hbm>>
          tpu.enqueue_dma source(%dma_start3A_57 : memref<128xi32, #tpu.memory_space<hbm>>) target(%arg9 : memref<128xi32, #tpu.memory_space<vmem>>) target_semaphore(%run_scoped3A : memref<!tpu.dma_semaphore, #tpu.memory_space<semaphore_mem>>)
          %dma_wait3A_58 = arith.constant 0 : i32
          %dma_wait3A_59 = tpu.memref_slice %arg4[%add3A_41, %dma_wait3A_58] : memref<2500x128xi32, #tpu.memory_space<hbm>> -> memref<1x128xi32, #tpu.memory_space<hbm>>
          %dma_wait3A_60 = tpu.memref_squeeze %dma_wait3A_59 : memref<1x128xi32, #tpu.memory_space<hbm>> -> memref<128xi32, #tpu.memory_space<hbm>>
          %dma_wait3A_61 = arith.constant 0 : i32
          %dma_wait3A_62 = tpu.memref_slice %arg4[%add3A_41, %dma_wait3A_61] : memref<2500x128xi32, #tpu.memory_space<hbm>> -> memref<1x128xi32, #tpu.memory_space<hbm>>
          %dma_wait3A_63 = tpu.memref_squeeze %dma_wait3A_62 : memref<1x128xi32, #tpu.memory_space<hbm>> -> memref<128xi32, #tpu.memory_space<hbm>>
          tpu.wait_dma2 semaphore(%run_scoped3A : memref<!tpu.dma_semaphore, #tpu.memory_space<semaphore_mem>>) src(%dma_wait3A_63 : memref<128xi32, #tpu.memory_space<hbm>>) dst(%arg9 : memref<128xi32, #tpu.memory_space<vmem>>)
          tpu.yield
        }) : () -> ()
        %dma_wait3A_42 = arith.constant 0 : i32
        %dma_wait3A_43 = arith.constant 0 : i32
        %dma_wait3A_44 = tpu.memref_slice %arg2[%dma_wait3A_42, %dma_wait3A_43] : memref<10000x128xf32, #tpu.memory_space<hbm>> -> memref<10000x128xf32, #tpu.memory_space<hbm>>
        tpu.wait_indirect_dma semaphore(%arg12 : memref<!tpu.dma_semaphore, #tpu.memory_space<semaphore_mem>>) src(%dma_wait3A_44 : memref<10000x128xf32, #tpu.memory_space<hbm>>) dst(%arg10 : memref<256x128xf32, #tpu.memory_space<vmem>>)
        %add3A_45 = arith.constant 32 : i32
        %add3A_46 = arith.addi %add3A_23, %add3A_45 : i32
        %lt3A_47 = arith.constant 1250 : i32
        %lt3A_48 = arith.cmpi slt, %add3A_46, %lt3A_47 : i32
        %convert_element_type3A_49 = arith.extui %lt3A_48 : i1 to i32
        %cond3A_50 = arith.constant 0 : i32
        %cond3A_51 = arith.cmpi ne, %convert_element_type3A_49, %cond3A_50 : i32
        scf.if %cond3A_51 {
          %dma_start3A_52 = arith.constant 0 : i32
          %dma_start3A_53 = tpu.memref_slice %arg3[%add3A_46, %dma_start3A_52] : memref<1250x256xi32, #tpu.memory_space<hbm>> -> memref<1x256xi32, #tpu.memory_space<hbm>>
          %dma_start3A_54 = tpu.memref_squeeze %dma_start3A_53 : memref<1x256xi32, #tpu.memory_space<hbm>> -> memref<256xi32, #tpu.memory_space<hbm>>
          %dma_start3A_55 = arith.constant 0 : i32
          %dma_start3A_56 = tpu.memref_slice %arg3[%add3A_46, %dma_start3A_55] : memref<1250x256xi32, #tpu.memory_space<hbm>> -> memref<1x256xi32, #tpu.memory_space<hbm>>
          %dma_start3A_57 = tpu.memref_squeeze %dma_start3A_56 : memref<1x256xi32, #tpu.memory_space<hbm>> -> memref<256xi32, #tpu.memory_space<hbm>>
          tpu.enqueue_dma source(%dma_start3A_57 : memref<256xi32, #tpu.memory_space<hbm>>) target(%arg7 : memref<256xi32, #tpu.memory_space<vmem>>) target_semaphore(%arg13 : memref<!tpu.dma_semaphore, #tpu.memory_space<semaphore_mem>>)
        } else {
        }
        "tpu.region"() ({
          %run_scoped3A = tpu.sem_alloc : memref<!tpu.dma_semaphore, #tpu.memory_space<semaphore_mem>>
          %dma_start3A_52 = arith.constant 0 : i32
          %dma_start3A_53 = arith.constant 0 : i32
          %dma_start3A_54 = tpu.memref_slice %arg10[%dma_start3A_52, %dma_start3A_53] : memref<256x128xf32, #tpu.memory_space<vmem>> -> memref<128x128xf32, #tpu.memory_space<vmem>>
          %dma_start3A_55 = arith.constant 0 : i32
          %dma_start3A_56 = arith.constant 0 : i32
          %dma_start3A_57 = tpu.memref_slice %arg11[%dma_start3A_55, %dma_start3A_56] : memref<10112x128xf32, #tpu.memory_space<vmem_shared>> -> memref<10112x128xf32, #tpu.memory_space<vmem_shared>>
          tpu.enqueue_indirect_dma source(%dma_start3A_54 : memref<128x128xf32, #tpu.memory_space<vmem>>) target(%dma_start3A_57 : memref<10112x128xf32, #tpu.memory_space<vmem_shared>>) offsets(%arg8 : memref<128xi32, #tpu.memory_space<vmem>>) semaphore(%run_scoped3A : memref<!tpu.dma_semaphore, #tpu.memory_space<semaphore_mem>>) {add = true}
          %dma_wait3A_58 = arith.constant 0 : i32
          %dma_wait3A_59 = arith.constant 0 : i32
          %dma_wait3A_60 = tpu.memref_slice %arg10[%dma_wait3A_58, %dma_wait3A_59] : memref<256x128xf32, #tpu.memory_space<vmem>> -> memref<128x128xf32, #tpu.memory_space<vmem>>
          %dma_wait3A_61 = arith.constant 0 : i32
          %dma_wait3A_62 = arith.constant 0 : i32
          %dma_wait3A_63 = tpu.memref_slice %arg11[%dma_wait3A_61, %dma_wait3A_62] : memref<10112x128xf32, #tpu.memory_space<vmem_shared>> -> memref<10112x128xf32, #tpu.memory_space<vmem_shared>>
          tpu.wait_indirect_dma semaphore(%run_scoped3A : memref<!tpu.dma_semaphore, #tpu.memory_space<semaphore_mem>>) src(%dma_wait3A_60 : memref<128x128xf32, #tpu.memory_space<vmem>>) dst(%dma_wait3A_63 : memref<10112x128xf32, #tpu.memory_space<vmem_shared>>)
          tpu.yield
        }) : () -> ()
        "tpu.region"() ({
          %run_scoped3A = tpu.sem_alloc : memref<!tpu.dma_semaphore, #tpu.memory_space<semaphore_mem>>
          %dma_start3A_52 = arith.constant 128 : i32
          %dma_start3A_53 = arith.constant 0 : i32
          %dma_start3A_54 = tpu.memref_slice %arg10[%dma_start3A_52, %dma_start3A_53] : memref<256x128xf32, #tpu.memory_space<vmem>> -> memref<128x128xf32, #tpu.memory_space<vmem>>
          %dma_start3A_55 = arith.constant 0 : i32
          %dma_start3A_56 = arith.constant 0 : i32
          %dma_start3A_57 = tpu.memref_slice %arg11[%dma_start3A_55, %dma_start3A_56] : memref<10112x128xf32, #tpu.memory_space<vmem_shared>> -> memref<10112x128xf32, #tpu.memory_space<vmem_shared>>
          tpu.enqueue_indirect_dma source(%dma_start3A_54 : memref<128x128xf32, #tpu.memory_space<vmem>>) target(%dma_start3A_57 : memref<10112x128xf32, #tpu.memory_space<vmem_shared>>) offsets(%arg9 : memref<128xi32, #tpu.memory_space<vmem>>) semaphore(%run_scoped3A : memref<!tpu.dma_semaphore, #tpu.memory_space<semaphore_mem>>) {add = true}
          %dma_wait3A_58 = arith.constant 128 : i32
          %dma_wait3A_59 = arith.constant 0 : i32
          %dma_wait3A_60 = tpu.memref_slice %arg10[%dma_wait3A_58, %dma_wait3A_59] : memref<256x128xf32, #tpu.memory_space<vmem>> -> memref<128x128xf32, #tpu.memory_space<vmem>>
          %dma_wait3A_61 = arith.constant 0 : i32
          %dma_wait3A_62 = arith.constant 0 : i32
          %dma_wait3A_63 = tpu.memref_slice %arg11[%dma_wait3A_61, %dma_wait3A_62] : memref<10112x128xf32, #tpu.memory_space<vmem_shared>> -> memref<10112x128xf32, #tpu.memory_space<vmem_shared>>
          tpu.wait_indirect_dma semaphore(%run_scoped3A : memref<!tpu.dma_semaphore, #tpu.memory_space<semaphore_mem>>) src(%dma_wait3A_60 : memref<128x128xf32, #tpu.memory_space<vmem>>) dst(%dma_wait3A_63 : memref<10112x128xf32, #tpu.memory_space<vmem_shared>>)
          tpu.yield
        }) : () -> ()
      } else {
      }
    }
    %scan3A_14 = arith.constant 40 : i32
    %barrier3A_15 = arith.constant 0 : index
    tpu.barrier barrier_id(%barrier3A_15)
    %mul3A_16 = arith.constant 632 : i32
    %mul3A_17 = arith.muli %arg1, %mul3A_16 : i32
    %mul3A_18 = arith.constant 632 : i32
    %mul3A_19 = arith.muli %arg1, %mul3A_18 : i32
    "tpu.region"() ({
      %run_scoped3A = tpu.sem_alloc : memref<!tpu.dma_semaphore, #tpu.memory_space<semaphore_mem>>
      %dma_start3A_20 = arith.constant 0 : i32
      %dma_start3A_21 = tpu.memref_slice %arg6[%arg0, %mul3A_19, %dma_start3A_20] : memref<2x10112x128xf32, #tpu.memory_space<hbm>> -> memref<1x632x128xf32, #tpu.memory_space<hbm>>
      %dma_start3A_22 = tpu.memref_squeeze %dma_start3A_21 : memref<1x632x128xf32, #tpu.memory_space<hbm>> -> memref<632x128xf32, #tpu.memory_space<hbm>>
      %dma_start3A_23 = arith.constant 0 : i32
      %dma_start3A_24 = tpu.memref_slice %arg11[%mul3A_17, %dma_start3A_23] : memref<10112x128xf32, #tpu.memory_space<vmem_shared>> -> memref<632x128xf32, #tpu.memory_space<vmem_shared>>
      tpu.enqueue_dma source(%dma_start3A_24 : memref<632x128xf32, #tpu.memory_space<vmem_shared>>) target(%dma_start3A_22 : memref<632x128xf32, #tpu.memory_space<hbm>>) target_semaphore(%run_scoped3A : memref<!tpu.dma_semaphore, #tpu.memory_space<semaphore_mem>>)
      %dma_wait3A = arith.constant 0 : i32
      %dma_wait3A_25 = tpu.memref_slice %arg6[%arg0, %mul3A_19, %dma_wait3A] : memref<2x10112x128xf32, #tpu.memory_space<hbm>> -> memref<1x632x128xf32, #tpu.memory_space<hbm>>
      %dma_wait3A_26 = tpu.memref_squeeze %dma_wait3A_25 : memref<1x632x128xf32, #tpu.memory_space<hbm>> -> memref<632x128xf32, #tpu.memory_space<hbm>>
      %dma_wait3A_27 = arith.constant 0 : i32
      %dma_wait3A_28 = tpu.memref_slice %arg11[%mul3A_17, %dma_wait3A_27] : memref<10112x128xf32, #tpu.memory_space<vmem_shared>> -> memref<632x128xf32, #tpu.memory_space<vmem_shared>>
      tpu.wait_dma2 semaphore(%run_scoped3A : memref<!tpu.dma_semaphore, #tpu.memory_space<semaphore_mem>>) src(%dma_wait3A_28 : memref<632x128xf32, #tpu.memory_space<vmem_shared>>) dst(%dma_wait3A_26 : memref<632x128xf32, #tpu.memory_space<hbm>>)
      tpu.yield
    }) : () -> ()
    return
  }
}

module attributes {stable_mosaic.version = 14 : i64} {
  func.func @_mlp_body(%arg0: memref<2x10112x128xf32, #tpu.memory_space<vmem>>, %arg1: memref<10000x128xf32, #tpu.memory_space<vmem>>, %arg2: memref<128x128xf32, #tpu.memory_space<vmem>>, %arg3: memref<1x128xf32, #tpu.memory_space<vmem>>, %arg4: memref<128x128xf32, #tpu.memory_space<vmem>>, %arg5: memref<1x128xf32, #tpu.memory_space<vmem>>, %arg6: memref<1x1xf32, #tpu.memory_space<vmem>>, %arg7: memref<1x128xf32, #tpu.memory_space<vmem>>, %arg8: memref<1x128xf32, #tpu.memory_space<vmem>>, %arg9: memref<10000x128xf32, #tpu.memory_space<vmem>>) attributes {dimension_semantics = [], scalar_prefetch = 0 : i64, scratch_operands = 0 : i64, tpu.core_type = #tpu.core_type<tc>} {
    %get3A = arith.constant 0 : index
    %get3A_0 = arith.constant 0 : index
    %get3A_1 = arith.constant 0 : index
    %get3A_2 = vector.load %arg0[%get3A, %get3A_0, %get3A_1] : memref<2x10112x128xf32, #tpu.memory_space<vmem>>, vector<1x10000x128xf32>
    %get3A_3 = vector.shape_cast %get3A_2 : vector<1x10000x128xf32> to vector<10000x128xf32>
    %get3A_4 = arith.constant 1 : index
    %get3A_5 = arith.constant 0 : index
    %get3A_6 = arith.constant 0 : index
    %get3A_7 = vector.load %arg0[%get3A_4, %get3A_5, %get3A_6] : memref<2x10112x128xf32, #tpu.memory_space<vmem>>, vector<1x10000x128xf32>
    %get3A_8 = vector.shape_cast %get3A_7 : vector<1x10000x128xf32> to vector<10000x128xf32>
    %add3A = arith.addf %get3A_3, %get3A_8 : vector<10000x128xf32>
    %get3A_9 = arith.constant 0 : index
    %get3A_10 = arith.constant 0 : index
    %get3A_11 = vector.load %arg6[%get3A_9, %get3A_10] : memref<1x1xf32, #tpu.memory_space<vmem>>, vector<1x1xf32>
    %get3A_12 = arith.constant 0 : index
    %get3A_13 = arith.constant 0 : index
    %get3A_14 = vector.load %arg1[%get3A_12, %get3A_13] : memref<10000x128xf32, #tpu.memory_space<vmem>>, vector<10000x128xf32>
    %mul3A = vector.broadcast %get3A_11 : vector<1x1xf32> to vector<10000x128xf32>
    %mul3A_15 = arith.mulf %mul3A, %get3A_14 : vector<10000x128xf32>
    %add3A_16 = arith.addf %add3A, %mul3A_15 : vector<10000x128xf32>
    %get3A_17 = arith.constant 0 : index
    %get3A_18 = arith.constant 0 : index
    %get3A_19 = vector.load %arg2[%get3A_17, %get3A_18] : memref<128x128xf32, #tpu.memory_space<vmem>>, vector<128x128xf32>
    %dot_general3A = arith.constant dense<0.000000e+00> : vector<10000x128xf32>
    %dot_general3A_20 = tpu.matmul %add3A_16, %get3A_19, %dot_general3A {dimension_numbers = #tpu.dot_dimension_numbers<[1], [0], [0], [1], [0, 0, 1, 1], [], []>, transpose_lhs_hint = false} : vector<10000x128xf32>, vector<128x128xf32>, vector<10000x128xf32> -> vector<10000x128xf32>
    %get3A_21 = arith.constant 0 : index
    %get3A_22 = arith.constant 0 : index
    %get3A_23 = vector.load %arg3[%get3A_21, %get3A_22] : memref<1x128xf32, #tpu.memory_space<vmem>>, vector<1x128xf32>
    %add3A_24 = vector.broadcast %get3A_23 : vector<1x128xf32> to vector<10000x128xf32>
    %add3A_25 = arith.addf %dot_general3A_20, %add3A_24 : vector<10000x128xf32>
    %max3A = arith.constant 0.000000e+00 : f32
    %max3A_26 = vector.broadcast %max3A : f32 to vector<10000x128xf32>
    %max3A_27 = arith.maximumf %add3A_25, %max3A_26 : vector<10000x128xf32>
    %get3A_28 = arith.constant 0 : index
    %get3A_29 = arith.constant 0 : index
    %get3A_30 = vector.load %arg4[%get3A_28, %get3A_29] : memref<128x128xf32, #tpu.memory_space<vmem>>, vector<128x128xf32>
    %dot_general3A_31 = arith.constant dense<0.000000e+00> : vector<10000x128xf32>
    %dot_general3A_32 = tpu.matmul %max3A_27, %get3A_30, %dot_general3A_31 {dimension_numbers = #tpu.dot_dimension_numbers<[1], [0], [0], [1], [0, 0, 1, 1], [], []>, transpose_lhs_hint = false} : vector<10000x128xf32>, vector<128x128xf32>, vector<10000x128xf32> -> vector<10000x128xf32>
    %get3A_33 = arith.constant 0 : index
    %get3A_34 = arith.constant 0 : index
    %get3A_35 = vector.load %arg5[%get3A_33, %get3A_34] : memref<1x128xf32, #tpu.memory_space<vmem>>, vector<1x128xf32>
    %add3A_36 = vector.broadcast %get3A_35 : vector<1x128xf32> to vector<10000x128xf32>
    %add3A_37 = arith.addf %dot_general3A_32, %add3A_36 : vector<10000x128xf32>
    %reduce_sum3A = arith.constant dense<0.000000e+00> : vector<128xf32>
    %reduce_sum3A_38 = vector.multi_reduction <add>, %add3A_37, %reduce_sum3A [0] : vector<10000x128xf32> to vector<128xf32>
    %broadcast_in_dim3A = vector.shape_cast %reduce_sum3A_38 : vector<128xf32> to vector<1x128xf32>
    %div3A = arith.constant 1.000000e+04 : f32
    %div3A_39 = vector.broadcast %div3A : f32 to vector<1x128xf32>
    %div3A_40 = arith.divf %broadcast_in_dim3A, %div3A_39 : vector<1x128xf32>
    %sub3A = vector.broadcast %div3A_40 : vector<1x128xf32> to vector<10000x128xf32>
    %sub3A_41 = arith.subf %add3A_37, %sub3A : vector<10000x128xf32>
    %square3A = arith.mulf %sub3A_41, %sub3A_41 : vector<10000x128xf32>
    %reduce_sum3A_42 = arith.constant dense<0.000000e+00> : vector<128xf32>
    %reduce_sum3A_43 = vector.multi_reduction <add>, %square3A, %reduce_sum3A_42 [0] : vector<10000x128xf32> to vector<128xf32>
    %broadcast_in_dim3A_44 = vector.shape_cast %reduce_sum3A_43 : vector<128xf32> to vector<1x128xf32>
    %div3A_45 = arith.constant 1.000000e+04 : f32
    %div3A_46 = vector.broadcast %div3A_45 : f32 to vector<1x128xf32>
    %div3A_47 = arith.divf %broadcast_in_dim3A_44, %div3A_46 : vector<1x128xf32>
    %sub3A_48 = vector.broadcast %div3A_40 : vector<1x128xf32> to vector<10000x128xf32>
    %sub3A_49 = arith.subf %add3A_37, %sub3A_48 : vector<10000x128xf32>
    %add3A_50 = arith.constant 9.99999974E-6 : f32
    %add3A_51 = vector.broadcast %add3A_50 : f32 to vector<1x128xf32>
    %add3A_52 = arith.addf %div3A_47, %add3A_51 : vector<1x128xf32>
    %rsqrt3A = math.rsqrt %add3A_52 : vector<1x128xf32>
    %mul3A_53 = vector.broadcast %rsqrt3A : vector<1x128xf32> to vector<10000x128xf32>
    %mul3A_54 = arith.mulf %sub3A_49, %mul3A_53 : vector<10000x128xf32>
    %get3A_55 = arith.constant 0 : index
    %get3A_56 = arith.constant 0 : index
    %get3A_57 = vector.load %arg7[%get3A_55, %get3A_56] : memref<1x128xf32, #tpu.memory_space<vmem>>, vector<1x128xf32>
    %mul3A_58 = vector.broadcast %get3A_57 : vector<1x128xf32> to vector<10000x128xf32>
    %mul3A_59 = arith.mulf %mul3A_54, %mul3A_58 : vector<10000x128xf32>
    %get3A_60 = arith.constant 0 : index
    %get3A_61 = arith.constant 0 : index
    %get3A_62 = vector.load %arg8[%get3A_60, %get3A_61] : memref<1x128xf32, #tpu.memory_space<vmem>>, vector<1x128xf32>
    %add3A_63 = vector.broadcast %get3A_62 : vector<1x128xf32> to vector<10000x128xf32>
    %add3A_64 = arith.addf %mul3A_59, %add3A_63 : vector<10000x128xf32>
    %max3A_65 = arith.constant 0.000000e+00 : f32
    %max3A_66 = vector.broadcast %max3A_65 : f32 to vector<10000x128xf32>
    %max3A_67 = arith.maximumf %add3A_64, %max3A_66 : vector<10000x128xf32>
    %swap3A = arith.constant 0 : index
    %swap3A_68 = arith.constant 0 : index
    %swap3A_69 = vector.load %arg9[%swap3A, %swap3A_68] : memref<10000x128xf32, #tpu.memory_space<vmem>>, vector<10000x128xf32>
    tpu.vector_store %arg9[%swap3A, %swap3A_68], %max3A_67 {strides = array<i32>} : memref<10000x128xf32, #tpu.memory_space<vmem>>, vector<10000x128xf32>,
    return
  }
}

</mosaic_0001>

<sc_bundles>
// kernel: kernel.4.cloned.1.call-start
scs
__scs_entry_jumppad:
0x0: {  	(pc) =	sbr.rel $0x88, $3  }
0x1: {  	(tag) =	ssettag $0x0;
	lr =	simm.s32 $0x1  }
0x2: {  	[smem:$0x3F98] =	sst lr;
	_ =	strace $0xD0000000  }
0x3: {  	_ = 	snop  }
0x4: {  	_ = 	snop  }
0x5: {  	_ = 	snop  }
0x6: {  	_ = 	snop  }
0x7: {  	_ = 	snop  }
__scs_overlays_trampoline_lowered:
0x8: {  	[smem:$0x3FA7] =	sst s0  }
0x9: {  	[smem:$0x3FA8] =	sst s1  }
0xa: {  	[smem:$0x3FA9] =	sst s2  }
0xb: {  	[smem:$0x3FAA] =	sst s3  }
0xc: {  	[smem:$0x3FAB] =	sst s4  }
0xd: {  	[smem:$0x3FAC] =	sst s5  }
0xe: {  	[smem:$0x3FAD] =	sst s6  }
0xf: {  	[smem:$0x3FAE] =	sst s7  }
0x10: {  	[smem:$0x3FAF] =	sst s8  }
0x11: {  	[smem:$0x3FB0] =	sst s9;
	s0 =	simm.s32 @!p0 $0x0  }
0x12: {  	s1 =	sld [smem:$0x3F96];
	s0 =	simm.s32 @p0 $0x1  }
0x13: {  	[smem:$0x3FB1] =	sst s0;
	s0 =	simm.s32 @!p1 $0x0  }
0x14: {  	s2 =	sld [smem:$0x3F95];
	s0 =	simm.s32 @p1 $0x1  }
0x15: {  	[smem:$0x3FB2] =	sst s0;
	s0 =	simm.s32 @!p2 $0x0  }
0x16: {  	s3 =	sld [smem:$0x3FDB];
	s0 =	simm.s32 @p2 $0x1  }
0x17: {  	s4 =	simm.s32 $0x1BF5;
	[smem:$0x3FB4] =	sst s0  }
0x18: {  	s0 =	sld [smem:$0x3F97];
	_ =	swait.ge [sflag:s4], $0x0  }
0x19: {  	s7 =	sld [smem:$0x3F98]  }
0x1a: {  	s8 =	sadd.s32 $0xFFFFE003, lr  }
0x1b: {  	s9 =	sadd.s32 $0xFFFFFEF7, lr;
	s5 =	simm.s32 $0xFFFFFFFF;
	p2 =	slt.u32 s8, $0xFFFFF086  }
0x1c: {  	p1 =	slt.u32 s9, $0xF7A;
	s5 =	simm.s32 @!p2 $0x0  }
0x1d: {  	s5 =	simm.s32 @p1 $0x1;
	p0 =	seq.s32 s7, s2  }
0x1e: {  	s7 =	smul.u32 @!p0 $0xF7A, s2;
	p2 =	seq.s32 @!p0 s5, $0x0  }
0x1f: {  	s9 =	smul.u32 $0xF7A, s1;
	s8 =	simm.s32 @!p0 $0x1BF5;
	p2 =	por !p2, p0  }
0x20: {  	[sflag:s8] =	ssyncset.s32 @!p0 $0xFFFFF086;
	s6 =	sadd.s32 @!p0 s3, s7;
	s7 =	simm.s32 @!p0 $0x108  }
0x21: {  	s3 =	sadd.s32 s3, s9;
	s6 =	sadd.s32 @!p0 $0x88, s6;
	s7 =	simm.s32 @p2 $0x1082  }
0x22: {  	[simem:s7], [sflag:s8] =	dma.local @!p0 [hbm:s6], $0xF7A  }
0x23: {  	s9 =	sor.u32 $0xD0000000, s2;
	s6 =	simm.s32 $0x108;
	_ =	swait.ge @!p0 [sflag:s8], $0x0  }
0x24: {  	s3 =	sadd.s32 $0x88, s3;
	s6 =	simm.s32 @!p1 $0x1082;
	[sflag:s4] =	ssyncset.s32 $0xFFFFF086  }
0x25: {  	[simem:s6], [sflag:s4] =	dma.local [hbm:s3], $0xF7A  }
0x26: {  	[smem:$0x3F98] =	sst s1;
	(tag) =	ssettag s2;
	_ =	strace s9  }
0x27: {  	s1 =	sld [smem:$0x3FA8]  }
0x28: {  	s2 =	sld [smem:$0x3FA9]  }
0x29: {  	s4 =	sld [smem:$0x3FAB]  }
0x2a: {  	p0 =	seq.s32 s5, $0x0;
	s5 =	sld [smem:$0x3FAC]  }
0x2b: {  	s6 =	sld [smem:$0x3FAD]  }
0x2c: {  	s7 =	sld [smem:$0x3FAE]  }
0x2d: {  	s3 =	simm.s32 $0x108;
	s8 =	sld [smem:$0x3FAF]  }
0x2e: {  	s3 =	simm.s32 @!p0 $0x1082;
	s9 =	sld [smem:$0x3FB0]  }
0x2f: {  	lr =	sadd.s32 s0, s3;
	s0 =	sld [smem:$0x3FA7]  }
0x30: {  	s3 =	sld [smem:$0x3FAA]  }
0x31: {  	[smem:$0x3FB3] =	sst s10  }
0x32: {  	s10 =	sld [smem:$0x3FB1];
	_ =	sdelay $0x3  }
0x33: {  	p0 =	seq.s32 s10, $0x1;
	s10 =	sld [smem:$0x3FB3];
	_ =	sdelay $0x3  }
0x34: {  	[smem:$0x3FB3] =	sst s10  }
0x35: {  	s10 =	sld [smem:$0x3FB2];
	_ =	sdelay $0x3  }
0x36: {  	p1 =	seq.s32 s10, $0x1;
	s10 =	sld [smem:$0x3FB3];
	_ =	sdelay $0x3  }
0x37: {  	[smem:$0x3FB3] =	sst s10  }
0x38: {  	s10 =	sld [smem:$0x3FB4]  }
0x39: {  	_ = 	snop;
	(pc) =	sbr.ind lr, $3  }
0x3a: {  	_ = 	snop  }
0x3b: {  	_ = 	snop  }
0x3c: {  	p2 =	seq.s32 s10, $0x1;
	s10 =	sld [smem:$0x3FB3]  }
0x3d: {  	_ =	shalt  }
0x3e: {  	_ =	shalt  }
0x3f: {  	_ =	shalt  }
0x40: {  	_ =	shalt  }
0x41: {  	_ =	shalt  }
0x42: {  	_ =	shalt  }
0x43: {  	_ =	shalt  }
0x44: {  	_ =	shalt  }
0x45: {  	_ =	shalt  }
0x46: {  	_ =	shalt  }
0x47: {  	_ =	shalt  }
0x48: {  	_ =	shalt  }
0x49: {  	_ =	shalt  }
0x4a: {  	_ =	shalt  }
0x4b: {  	_ =	shalt  }
0x4c: {  	_ =	shalt  }
0x4d: {  	_ =	shalt  }
0x4e: {  	_ =	shalt  }
0x4f: {  	_ =	shalt  }
0x50: {  	_ =	shalt  }
0x51: {  	_ =	shalt  }
0x52: {  	_ =	shalt  }
0x53: {  	_ =	shalt  }
0x54: {  	_ =	shalt  }
0x55: {  	_ =	shalt  }
0x56: {  	_ =	shalt  }
0x57: {  	_ =	shalt  }
0x58: {  	_ =	shalt  }
0x59: {  	_ =	shalt  }
0x5a: {  	_ =	shalt  }
0x5b: {  	_ =	shalt  }
0x5c: {  	_ =	shalt  }
0x5d: {  	_ =	shalt  }
0x5e: {  	_ =	shalt  }
0x5f: {  	_ =	shalt  }
0x60: {  	_ =	shalt  }
0x61: {  	_ =	shalt  }
0x62: {  	_ =	shalt  }
0x63: {  	_ =	shalt  }
0x64: {  	_ =	shalt  }
0x65: {  	_ =	shalt  }
0x66: {  	_ =	shalt  }
0x67: {  	_ =	shalt  }
0x68: {  	_ =	shalt  }
0x69: {  	_ =	shalt  }
0x6a: {  	_ =	shalt  }
0x6b: {  	_ =	shalt  }
0x6c: {  	_ =	shalt  }
0x6d: {  	_ =	shalt  }
0x6e: {  	_ =	shalt  }
0x6f: {  	_ =	shalt  }
0x70: {  	_ =	shalt  }
0x71: {  	_ =	shalt  }
0x72: {  	_ =	shalt  }
0x73: {  	_ =	shalt  }
0x74: {  	_ =	shalt  }
0x75: {  	_ =	shalt  }
0x76: {  	_ =	shalt  }
0x77: {  	_ =	shalt  }
0x78: {  	_ =	shalt  }
0x79: {  	_ =	shalt  }
0x7a: {  	_ =	shalt  }
0x7b: {  	_ =	shalt  }
0x7c: {  	_ =	shalt  }
0x7d: {  	_ =	shalt  }
0x7e: {  	_ =	shalt  }
0x7f: {  	_ =	shalt  }
0x80: {  	_ =	shalt  }
0x81: {  	_ =	shalt  }
0x82: {  	_ =	shalt  }
0x83: {  	_ =	shalt  }
0x84: {  	_ =	shalt  }
0x85: {  	_ =	shalt  }
0x86: {  	_ =	shalt  }
0x87: {  	_ =	shalt  }
.Lfunc_end0:
.L_simem_size_0:
called_computation_lowered:
.L_overlay_start_0:
0x88: {  	s2 =	sld [smem:$0x3FD9]  }
0x89: {  	s3 =	sld [smem:$0x3FFE];
	_ =	sdelay $0x1  }
0x8a: {  	s1 =	srdreg.scid  }
0x8b: {  	s0 =	sand.u32 $0x1, s1  }
0x8c: {  	s17 =	sshll.u32 s0, $0xA;
	s2 =	sadd.s32 s3, s2  }
0x8d: {  	s2 =	sadd.s32 s2, s17  }
0x8e: {  	[smem:$0x3FBF] =	sst s2  }
0x8f: {  	_ = 	snop  }
0x90: {  	s2 =	sld [smem:$0x3FC9]  }
0x91: {  	s18 =	sld [smem:$0x3FD0];
	(tm) =	ssettm $0x1  }
0x92: {  	s4 =	sld [smem:$0x3FFB];
	_ =	sdelay $0x3  }
0x93: {  	_ =	strace s4  }
0x94: {  	s4 =	sld [smem:$0x3FFC];
	_ =	sdelay $0x3  }
0x95: {  	_ =	strace s4  }
0x96: {  	s4 =	sld [smem:$0x3FFD];
	_ =	sdelay $0x3  }
0x97: {  	_ =	strace s4  }
0x98: {  	_ =	strace $0x8FFFFFFF  }
0x99: {  	s19 =	sld [smem:$0x3FDB];
	_ =	sdelay $0x1  }
0x9a: {  	s5 =	simm.s32 $_scs_section_size  }
0x9b: {  	s6 =	simm.s32 $_size__tile_overlayer_lowered;
	s7 =	simm.s32 $_tile_overlayer_lowered  }
0x9c: {  	s22 =	simm.s32 $0x1BFF;
	s21 =	sshll.u32 s7, $0x1;
	s4 =	sadd.s32 s5, s19  }
0x9d: {  	s8 =	simm.s32 $0x0;
	s20 =	sshll.u32 s6, $0x1;
	s6 =	sadd.s32 s21, s4  }
0x9e: {  	[timem:s8], [sflag:s22] =	dma.local [hbm:s6], s20  }
0x9f: {  	_ =	swait.ge [sflag:s22], s20  }
0xa0: {  	s5 =	ssub.s32 $0x0, s20;
	[sflag:s22] =	ssyncset.done $0x0  }
0xa1: {  	[sflag:s22] =	ssyncadd.s32 s5;
	_ =	sdelay $0x1  }
0xa2: {  	s23 =	simm.s32 $0x1B8B  }
0xa3: {  	_ =	swait.ge [sflag:s23], $0x1  }
0xa4: {  	[sflag:s23] =	ssyncset.done $0x0  }
0xa5: {  	s25 =	simm.s32 $0x1B8E;
	s24 =	sld [smem:$0x3FFE];
	[sflag:s23] =	ssyncadd.s32 $0xFFFFFFFF  }
0xa6: {  	s26 =	simm.s32 $execute0_lowered;
	[smem:$0x3FD2] =	sst s25  }
0xa7: {  	s6 =	sshll.u32 s26, $0x1;
	_ =	strace $0x80000046;
	[dreg:$0x1] =	wrdreg $0xFFFFFFFF  }
0xa8: {  	s28 =	simm.s32 $_size_execute0_lowered;
	s4 =	sadd.s32 s4, s6;
	[dreg:$0x0] =	wrdreg $0x0  }
0xa9: {  	s6 =	sshll.u32 s28, $0x1;
	[dreg:$0x2] =	wrdreg s4  }
0xaa: {  	[dreg:$0x3] =	wrdreg s6  }
0xab: {  	[dreg:$0x4] =	wrdreg $0xC0  }
0xac: {  	_ =	task [dreg:s8], $0x5FFFF  }
0xad: {  	[dreg:$0x1] =	wrdreg $0xFFFFFFFF  }
0xae: {  	[dreg:$0x0] =	wrdreg $0x60  }
0xaf: {  	[dreg:$0x2] =	wrdreg s2  }
0xb0: {  	[dreg:$0x3] =	wrdreg s18  }
0xb1: {  	[dreg:$0x4] =	wrdreg s24  }
0xb2: {  	[dreg:$0x5] =	wrdreg $0x82000  }
0xb3: {  	[dreg:$0x6] =	wrdreg $0x9  }
0xb4: {  	_ =	task.clear_ibuf [dreg:s8], $0x7FFFF;
	_ =	strace $0x90000046  }
0xb5: {  	s29 =	simm.s32 $0x9;
	_ =	strace $0x80000048  }
0xb6: {  	_ =	swait.ge [sflag:s29], $0x1  }
0xb7: {  	[sflag:s29] =	ssyncadd.s32 $0xFFFFFFFF  }
0xb8: {  	_ =	strace $0x90000048  }
0xb9: {  	_ =	sfence  }
0xba: {  	s30 =	sld [smem:$0x0];
	_ =	sdelay $0x2  }
0xbb: {  	s31 =	sshll.u32 s1, $0xD;
	s1 =	sshrl.u32 s1, $0x2  }
0xbc: {  	s3 =	sand.u32 $0x4000, s31;
	s1 =	sadd.s32 s1, s30  }
0xbd: {  	s0 =	sor.u32 s3, s0;
	s1 =	sshll.u32 s1, $0x11  }
0xbe: {  	s0 =	sor.u32 s1, s0  }
0xbf: {  	s0 =	sadd.s32 $0x8F2B, s0  }
0xc0: {  	[sflag:s0] =	ssyncadd.remote.s32 $0x1  }
0xc1: {  	_ =	sfence.sel $0xFFFF  }
0xc2: {  	[dreg:$0x0] =	wrdreg $0xFFFFFFFF;
	(pc) =	sbr.abs _section_cstart, $3  }
0xc3: {  	[dreg:$0x1] =	wrdreg $0xFFFFFFFF  }
0xc4: {  	_ =	task.clear_ibuf [dreg:s8], $0x2FFFF;
	_ =	strace $0x9FFFFFFF  }
0xc5: {  	(tm) =	ssettm $0x7FFFFFFF  }
tec
execute0_lowered:
.L_overlay_start_1:
0x0: {  	(tag) =	ssettag $0x1  }
0x1: {  	s1 =	rddreg [dreg:$0x0]  }
0x2: {  	s9 =	rddreg [dreg:$0x1]  }
0x3: {  	s5 =	rddreg [dreg:$0x2]  }
0x4: {  	s3 =	rddreg [dreg:$0x3]  }
0x5: {  	s0 =	rddreg [dreg:$0x4]  }
0x6: {  	s6 =	srdreg.scid;
	s4 =	simm.s32 $0x0;
	s2 =	stileid.u32  }
0x7: {  	s18 =	simm.s32 $0x0;
	s6 =	sand.u32 $0x1, s6;
	s10 =	smul.u32 $0x13C00, s2  }
0x8: {  	s7 =	sshll.u32 s2, $0x6;
	[smem:$0x7FF] =	sst s4;
	s16 =	smul.u32 $0x4F000, s2  }
0x9: {  	s15 =	sshll.u32 s2, $0x1;
	s8 =	sshll.u32 s6, $0x5;
	s22 =	smul.u32 $0x13C000, s6  }
0xa: {  	_ =	strace $0x80000047;
	s25 =	ssub.s32 $0x2, s6;
	s28 =	sand.u32 $0x300, s7  }
0xb: {  	s12 =	sor.u32 s8, s7;
	s23 =	sshrl.u32 s10, $0x3;
	s14 =	sshrl.u32 s25, $0x1  }
0xc: {  	s26 =	sshrl.u32 s16, $0x2;
	s7 =	sor.u32 $0x1C03, s7;
	s16 =	simm.s32 $0x80  }
0xd: {  	s11 =	sand.u32 $0x380, s12;
	s8 =	sadd.s32 s10, s22;
	s24 =	sadd.s32 s23, s5  }
0xe: {  	s30 =	sadd.s32 s26, s3;
	s31 =	sand.u32 $0x60, s12;
	s12 =	sor.u32 $0x400, s12  }
0xf: {  	s13 =	sadd.s32 s11, s5;
	s8 =	sshrl.u32 s8, $0x3;
	s11 =	ssub.s32 s25, s14  }
0x10: {  	s17 =	sadd.s32 s8, s5;
	s5 =	sor.u32 s6, s15;
	s8 =	sadd.s32 s9, s28  }
0x11: {  	s6 =	sadd.s32 $0xB000, s24;
	s11 =	smax.u32 s11, $0x1;
	s13 =	sadd.s32 s31, s13  }
0x12: {  	s15 =	simm.s32 $0x3;
	s29 =	sshll.u32 s5, $0x4;
	s10 =	sadd.s32 $0x32800, s17  }
0x13: {  	s13 =	sadd.s32 $0x1200, s13;
	s17 =	simm.s32 $0x400;
	s14 =	sand.u32 $0x70, s29  }
0x14: {  	s8 =	sadd.s32 s14, s8;
	s9 =	sadd.s32 s9, s14;
	s14 =	sshrl.u32 s30, $0x3  }
.LBB2_1:
0x15: {  	[spmem:s14], [sflag:s7] =	dma.local [hbm:s6], $0x2780  }
0x16: {  	_ =	swait.ge [sflag:s15], $0x2780  }
0x17: {  	[sflag:s15] =	ssyncset.done $0x0  }
0x18: {  	p0 =	sgt.u32 s5, $0x4E1;
	[sflag:s15] =	ssyncadd.s32 $0xFFFFD880  }
0x19: {  	s19 =	simm.s32 @!p0 $0x2;
	p0 =	por p0, p0;
	[bflag:$0x0] =	sbarrier.arrive $0xFFFF  }
0x1a: {  	[tilespmem:s4], [sflag:$0x2] =	stream.strided.gather [hbm4b:s8+s16], $0x100, s17, s16, $0x38;
	[tilespmem:$0x1BE00] =	vst v63  }
0x1b: {  	_ =	swait.ge @!p0 [sflag:s19], $0x100  }
0x1c: {  	s20 =	simm.s32 @!p0 $0x200;
	[sflag:s19] =	ssyncset.done @!p0 $0x0  }
0x1d: {  	s21 =	simm.s32 @!p0 $0x0;
	[sflag:s19] =	ssyncadd.s32 @!p0 $0xFFFFFF00;
	s19 =	simm.s32 @!p0 $0x100  }
0x1e: {  	[tilespmem:s20], [sflag:$0x1] =	stream.indirect.gather @!p0 [hbm4b:s1+s19], $0x80, s21, s19, $0xb8;
	[tilespmem:$0x1BE00] =	vst v63  }
0x1f: {  	s22 =	sadd.s32 @!p0 $0x0, s13;
	s23 =	simm.s32 @!p0 $0x4  }
0x20: {  	[tilespmem:s19], [sflag:$0x4] =	stream.linear.gather @!p0 [hbm4b:s22+s21], $0x80, $0x38;
	[tilespmem:$0x1BE00] =	vst v63  }
0x21: {  	_ =	swait.ge @!p0 [sflag:s23], $0x80  }
0x22: {  	[sflag:s23] =	ssyncset.done @!p0 $0x0  }
0x23: {  	s24 =	simm.s32 @!p0 $0x180;
	s22 =	sadd.s32 @!p0 $0x10, s22;
	[sflag:s23] =	ssyncadd.s32 @!p0 $0xFFFFFF80  }
0x24: {  	[tilespmem:s24], [sflag:$0x4] =	stream.linear.gather @!p0 [hbm4b:s22+s21], $0x80, $0x38;
	[tilespmem:$0x1BE00] =	vst v63  }
0x25: {  	_ =	swait.ge @!p0 [sflag:s23], $0x80  }
0x26: {  	p1 =	sgt.u32 @!p0 s5, $0x4C1;
	[sflag:s23] =	ssyncset.done @!p0 $0x0  }
0x27: {  	p1 =	por p1, p0;
	s21 =	simm.s32 @!p0 $0x1;
	[sflag:s23] =	ssyncadd.s32 @!p0 $0xFFFFFF80  }
0x28: {  	s25 =	simm.s32 @!p1 $0x400;
	s22 =	sadd.s32 @!p1 $0x0, s12;
	_ =	swait.ge @!p0 [sflag:s21], $0x8000  }
0x29: {  	s26 =	simm.s32 @!p1 $0x80;
	s22 =	sand.u32 @!p1 $0x1FF00, s22;
	[sflag:s21] =	ssyncset.done @!p0 $0x0  }
0x2a: {  	[sflag:s21] =	ssyncadd.s32 @!p0 $0xFFFF8000;
	s21 =	sadd.s32 @!p1 s22, s9;
	s22 =	simm.s32 @!p1 $0x0  }
0x2b: {  	[tilespmem:s22], [sflag:$0x2] =	stream.strided.gather @!p1 [hbm4b:s21+s26], $0x100, s25, s26, $0x38;
	[tilespmem:$0x1BE00] =	vst v63  }
0x2c: {  	s21 =	simm.s32 @!p0 $0x80  }
0x2d: {  	[spmem:s3] =	stream.indirect.scatter.add.f32 @!p0 [tilespmem:s20], [sflag:$0x4], $0x80, s19, s21, $0xb8;
	[tilespmem:$0x1BE00] =	vst v63  }
0x2e: {  	_ =	swait.ge @!p0 [sflag:s23], $0x4000  }
0x2f: {  	[sflag:s23] =	ssyncset.done @!p0 $0x0  }
0x30: {  	s22 =	simm.s32 @!p0 $0x3;
	s19 =	simm.s32 @!p0 $0x4200;
	[sflag:s23] =	ssyncadd.s32 @!p0 $0xFFFFC000  }
0x31: {  	[spmem:s3] =	stream.indirect.scatter.add.f32 @!p0 [tilespmem:s19], [sflag:$0x3], $0x80, s24, s21, $0xb8;
	[tilespmem:$0x1BE00] =	vst v63  }
0x32: {  	s20 =	simm.s32 $0x400;
	s19 =	sadd.s32 $0x20, s5;
	_ =	swait.ge @!p0 [sflag:s22], $0x4000  }
0x33: {  	s21 =	simm.s32 $0x800;
	p2 =	sgt.u32 s19, $0x4E1;
	[sflag:s22] =	ssyncset.done @!p0 $0x0  }
.LBB2_2:
0x34: {  	s23 =	simm.s32 @!p2 $0x2;
	[sflag:s22] =	ssyncadd.s32 @!p0 $0xFFFFC000  }
0x35: {  	s22 =	smov.u32 s21;
	s21 =	sadd.s32 $0x400, s21;
	p0 =	por p2, p2  }
0x36: {  	p1 =	sne.s32 s21, $0xA000;
	_ =	swait.ge @!p0 [sflag:s23], $0x100  }
0x37: {  	s24 =	simm.s32 @!p0 $0x200;
	[sflag:s23] =	ssyncset.done @!p0 $0x0  }
0x38: {  	s25 =	simm.s32 @!p0 $0x0;
	[sflag:s23] =	ssyncadd.s32 @!p0 $0xFFFFFF00;
	s23 =	simm.s32 @!p0 $0x100  }
0x39: {  	[tilespmem:s24], [sflag:$0x1] =	stream.indirect.gather @!p0 [hbm4b:s1+s23], $0x80, s25, s23, $0xb8;
	[tilespmem:$0x1BE00] =	vst v63  }
0x3a: {  	s26 =	sadd.s32 @!p0 s20, s13;
	s28 =	simm.s32 @!p0 $0x4  }
0x3b: {  	[tilespmem:s23], [sflag:$0x4] =	stream.linear.gather @!p0 [hbm4b:s26+s25], $0x80, $0x38;
	[tilespmem:$0x1BE00] =	vst v63  }
0x3c: {  	s26 =	sadd.s32 @!p0 $0x10, s26;
	_ =	swait.ge @!p0 [sflag:s28], $0x80  }
0x3d: {  	[sflag:s28] =	ssyncset.done @!p0 $0x0  }
0x3e: {  	s29 =	simm.s32 @!p0 $0x180;
	[sflag:s28] =	ssyncadd.s32 @!p0 $0xFFFFFF80  }
0x3f: {  	[tilespmem:s29], [sflag:$0x4] =	stream.linear.gather @!p0 [hbm4b:s26+s25], $0x80, $0x38;
	[tilespmem:$0x1BE00] =	vst v63  }
0x40: {  	_ =	swait.ge @!p0 [sflag:s28], $0x80  }
0x41: {  	p2 =	sgt.u32 @!p0 s19, $0x4C1;
	[sflag:s28] =	ssyncset.done @!p0 $0x0  }
0x42: {  	p2 =	por p2, p0;
	s25 =	simm.s32 @!p0 $0x1;
	[sflag:s28] =	ssyncadd.s32 @!p0 $0xFFFFFF80  }
0x43: {  	s20 =	sadd.s32 @!p2 s20, s12;
	s26 =	simm.s32 @!p2 $0x400;
	_ =	swait.ge @!p0 [sflag:s25], $0x8000  }
0x44: {  	s30 =	simm.s32 @!p2 $0x80;
	s20 =	sand.u32 @!p2 $0x1FF00, s20;
	[sflag:s25] =	ssyncset.done @!p0 $0x0  }
0x45: {  	s20 =	sadd.s32 @!p2 s20, s9;
	[sflag:s25] =	ssyncadd.s32 @!p0 $0xFFFF8000;
	s25 =	simm.s32 @!p2 $0x0  }
0x46: {  	[tilespmem:s25], [sflag:$0x2] =	stream.strided.gather @!p2 [hbm4b:s20+s30], $0x100, s26, s30, $0x38;
	[tilespmem:$0x1BE00] =	vst v63  }
0x47: {  	s25 =	simm.s32 @!p0 $0x80;
	s20 =	smov.u32 s22  }
0x48: {  	[spmem:s3] =	stream.indirect.scatter.add.f32 @!p0 [tilespmem:s24], [sflag:$0x4], $0x80, s23, s25, $0xb8;
	[tilespmem:$0x1BE00] =	vst v63  }
0x49: {  	_ =	swait.ge @!p0 [sflag:s28], $0x4000  }
.Ltmp0:
0x4a: {  	[sflag:s28] =	ssyncset.done @!p0 $0x0;
	(pc) =	sbr.rel @p1 .LBB2_2-.Ltmp0, $4  }
0x4b: {  	s22 =	simm.s32 @!p0 $0x3;
	s23 =	simm.s32 @!p0 $0x4200;
	[sflag:s28] =	ssyncadd.s32 @!p0 $0xFFFFC000  }
0x4c: {  	[spmem:s3] =	stream.indirect.scatter.add.f32 @!p0 [tilespmem:s23], [sflag:$0x3], $0x80, s29, s25, $0xb8;
	[tilespmem:$0x1BE00] =	vst v63  }
0x4d: {  	s19 =	sadd.s32 $0x20, s19;
	_ =	swait.ge @!p0 [sflag:s22], $0x4000  }
0x4e: {  	p2 =	sgt.u32 s19, $0x4E1;
	[sflag:s22] =	ssyncset.done @!p0 $0x0  }
0x4f: {  	s21 =	simm.s32 @!p2 $0x2;
	[sflag:s22] =	ssyncadd.s32 @!p0 $0xFFFFC000;
	p0 =	por p2, p2  }
0x50: {  	_ =	swait.ge @!p0 [sflag:s21], $0x100  }
0x51: {  	s22 =	simm.s32 @!p0 $0x200;
	[sflag:s21] =	ssyncset.done @!p0 $0x0  }
0x52: {  	s23 =	simm.s32 @!p0 $0x0;
	[sflag:s21] =	ssyncadd.s32 @!p0 $0xFFFFFF00;
	s21 =	simm.s32 @!p0 $0x100  }
0x53: {  	[tilespmem:s22], [sflag:$0x1] =	stream.indirect.gather @!p0 [hbm4b:s1+s21], $0x80, s23, s21, $0xb8;
	[tilespmem:$0x1BE00] =	vst v63  }
0x54: {  	s24 =	sadd.s32 @!p0 s20, s13;
	s25 =	simm.s32 @!p0 $0x4  }
0x55: {  	[tilespmem:s21], [sflag:$0x4] =	stream.linear.gather @!p0 [hbm4b:s24+s23], $0x80, $0x38;
	[tilespmem:$0x1BE00] =	vst v63  }
0x56: {  	_ =	swait.ge @!p0 [sflag:s25], $0x80  }
0x57: {  	[sflag:s25] =	ssyncset.done @!p0 $0x0  }
0x58: {  	s26 =	simm.s32 @!p0 $0x180;
	s24 =	sadd.s32 @!p0 $0x10, s24;
	[sflag:s25] =	ssyncadd.s32 @!p0 $0xFFFFFF80  }
0x59: {  	[tilespmem:s26], [sflag:$0x4] =	stream.linear.gather @!p0 [hbm4b:s24+s23], $0x80, $0x38;
	[tilespmem:$0x1BE00] =	vst v63  }
0x5a: {  	p1 =	sgt.u32 @!p0 s19, $0x4C1;
	_ =	swait.ge @!p0 [sflag:s25], $0x80  }
0x5b: {  	p1 =	por p1, p0;
	[sflag:s25] =	ssyncset.done @!p0 $0x0  }
0x5c: {  	s19 =	simm.s32 @!p0 $0x1;
	s20 =	sadd.s32 @!p1 s20, s12;
	[sflag:s25] =	ssyncadd.s32 @!p0 $0xFFFFFF80  }
0x5d: {  	s20 =	sand.u32 @!p1 $0x1FF00, s20;
	_ =	swait.ge @!p0 [sflag:s19], $0x8000  }
0x5e: {  	s23 =	simm.s32 @!p1 $0x400;
	s24 =	simm.s32 @!p1 $0x80;
	[sflag:s19] =	ssyncset.done @!p0 $0x0  }
0x5f: {  	[sflag:s19] =	ssyncadd.s32 @!p0 $0xFFFF8000;
	s19 =	sadd.s32 @!p1 s20, s9;
	s20 =	simm.s32 @!p1 $0x0  }
0x60: {  	[tilespmem:s20], [sflag:$0x2] =	stream.strided.gather @!p1 [hbm4b:s19+s24], $0x100, s23, s24, $0x38;
	[tilespmem:$0x1BE00] =	vst v63  }
0x61: {  	s19 =	simm.s32 @!p0 $0x80  }
0x62: {  	[spmem:s3] =	stream.indirect.scatter.add.f32 @!p0 [tilespmem:s22], [sflag:$0x4], $0x80, s21, s19, $0xb8;
	[tilespmem:$0x1BE00] =	vst v63  }
0x63: {  	_ =	swait.ge @!p0 [sflag:s25], $0x4000  }
0x64: {  	[sflag:s25] =	ssyncset.done @!p0 $0x0  }
0x65: {  	s20 =	simm.s32 @!p0 $0x4200;
	s21 =	simm.s32 @!p0 $0x3;
	[sflag:s25] =	ssyncadd.s32 @!p0 $0xFFFFC000  }
0x66: {  	[spmem:s3] =	stream.indirect.scatter.add.f32 @!p0 [tilespmem:s20], [sflag:$0x3], $0x80, s26, s19, $0xb8;
	[tilespmem:$0x1BE00] =	vst v63  }
0x67: {  	_ =	swait.ge @!p0 [sflag:s21], $0x4000  }
0x68: {  	s18 =	sadd.s32 $0x1, s18;
	[sflag:s21] =	ssyncset.done @!p0 $0x0  }
0x69: {  	[sflag:s21] =	ssyncadd.s32 @!p0 $0xFFFFC000;
	p0 =	sne.s32 s18, s11  }
.Ltmp1:
0x6a: {  	[bflag:$0x0] =	sbarrier.arrive $0xFFFF;
	(pc) =	sbr.rel @p0 .LBB2_1-.Ltmp1, $4  }
0x6b: {  	[hbm:s10], [sflag:s7] =	dma.local [spmem:s14], $0x2780  }
0x6c: {  	_ =	swait.ge [sflag:s15], $0x2780  }
0x6d: {  	[sflag:s15] =	ssyncset.done $0x0  }
0x6e: {  	[sflag:s15] =	ssyncadd.s32 $0xFFFFD880  }
0x6f: {  	_ =	sfence.sel $0x180000  }
0x70: {  	[bflag:$0x0] =	sbarrier.arrive $0xFFFF  }
0x71: {  	p0 =	sne.s32 s2, $0x0;
	_ =	strace $0x90000047  }
0x72: {  	s0 =	sadd.s32 @!p0 $0x100000, s0;
	[bflag:$0x2] =	sbarrier.arrive $0xFFFF  }
0x73: {  	[sflag:s0] =	ssyncadd.tile.s32 @!p0 $0x1;
	_ =	shalt  }
.Lfunc_end2:
_tile_overlayer_lowered:
.L_overlay_start_2:
0x74: {  	(tag) =	ssettag $0x2  }
0x75: {  	s0 =	rddreg [dreg:$0x0];
	s2 =	stileid.u32  }
0x76: {  	s1 =	rddreg [dreg:$0x1];
	p0 =	sne.s32 s2, $0x0  }
0x77: {  	s3 =	rddreg [dreg:$0x2];
	[bflag:$0x3] =	sbarrier.arrive $0xFFFF;
	s2 =	simm.s32 @!p0 $0x1C03  }
0x78: {  	[timem:s3], [sflag:s2] =	dma.local @!p0 [hbm:s0], s1  }
0x79: {  	s0 =	simm.s32 @!p0 $0x3  }
0x7a: {  	_ =	swait.ge @!p0 [sflag:s0], s1  }
0x7b: {  	s1 =	ssub.s32 @!p0 $0x0, s1;
	[sflag:s0] =	ssyncset.done @!p0 $0x0  }
0x7c: {  	[sflag:s0] =	ssyncadd.s32 @!p0 s1  }
0x7d: {  	[bflag:$0x3] =	sbarrier.arrive $0xFFFF  }
0x7e: {  	_ =	shalt  }

</sc_bundles>
